<compile_context>
chip_gen: v7x
topology: tpu7x:2x2x1
jax: 0.10.2.dev20260603
libtpu: 0.0.44.dev20260713+nightly
codegen_flags: <defaults>
</compile_context>

<pallas_src>
import functools

import jax
import jax.numpy as jnp
from jax import lax
from jax.experimental import pallas as pl
from jax.experimental.pallas import tpu as pltpu
from jax.experimental.pallas import tpu_sc as plsc

B = 4
S = 8192
D = 2048
STRIDE = 32
R = S // STRIDE
TOTAL = B * R

_info = plsc.get_sparse_core_info()
NC, NS = _info.num_cores, _info.num_subcores
NW = NC * NS
ROWS_PER_W = TOTAL // NW
NCHUNK = 4
CH = ROWS_PER_W // NCHUNK


def _gather_rows():
    mesh = plsc.VectorSubcoreMesh(core_axis_name="c", subcore_axis_name="s")

    @functools.partial(
        pl.kernel,
        mesh=mesh,
        out_type=jax.ShapeDtypeStruct((TOTAL, D), jnp.float32),
        scratch_types=[
            pltpu.VMEM((ROWS_PER_W,), jnp.int32),
            pltpu.VMEM((NCHUNK, CH, D), jnp.float32),
        ]
        + [pltpu.SemaphoreType.DMA] * (2 * NCHUNK),
    )
    def k(x_hbm, idx_hbm, out_hbm, idx_v, bufs, *sems):
        gsems, ssems = sems[:NCHUNK], sems[NCHUNK:]
        wid = lax.axis_index("s") * NC + lax.axis_index("c")
        base = wid * ROWS_PER_W
        pltpu.sync_copy(idx_hbm.at[pl.ds(base, ROWS_PER_W)], idx_v)
        gathers = [
            pltpu.async_copy(
                x_hbm.at[idx_v.at[pl.ds(c * CH, CH)]], bufs.at[c], gsems[c]
            )
            for c in range(NCHUNK)
        ]
        scatters = []
        for c in range(NCHUNK):
            gathers[c].wait()
            scatters.append(
                pltpu.async_copy(
                    bufs.at[c], out_hbm.at[pl.ds(base + c * CH, CH)], ssems[c]
                )
            )
        for s in scatters:
            s.wait()

    return k


_kernel = _gather_rows()


def kernel(x):
    xf = x.reshape(B * S, D)
    r = jnp.arange(TOTAL, dtype=jnp.int32)
    idx = (r // R) * S + (r % R) * STRIDE
    y = _kernel(xf, idx)
    return y.reshape(B, R // 16, 16, D)

# --- scband reference (transcript-rebuilt; emitter-appended) ---
"""Pipeline reference for scband-index-based-splitter-71124658422414 (READ-ONLY COPY).

The authoritative reference and input builder live on the scoring server;
editing this copy changes nothing except your own understanding.
"""

import jax, jax.numpy as jnp
import numpy as np

# input_indices from init_kwargs: multiples of 32 in [0, 8192)
INPUT_INDICES = jnp.arange(0, 8192, 32, dtype=jnp.int32)


def setup_inputs(seed: int = 0) -> dict:
    key = jax.random.key(seed)
    x = jax.random.normal(key, (4, 8192, 2048), dtype=jnp.float32)
    return {"x": x}


def reference(x):
    # input_flatten_axes=(1,1): torch.flatten(start_dim=1, end_dim=1) is identity
    xf = x
    # torch.index_select(dim=1, index=input_indices) -> row gather on seq axis
    y = jnp.take(xf, INPUT_INDICES, axis=1)
    # output_flatten_axes=(1,2), output_shape=[16,16,2048]:
    # shape_along_unflattened_axes = output_shape[0:2] = (16,16)
    y = y.reshape(y.shape[0], 16, 16, y.shape[2])
    return y

if __name__ == "__main__":
    import jax
    _d = setup_inputs()
    print(jax.jit(kernel)(*tuple(_d.values())))

</pallas_src>

<mosaic_0001>
#map = affine_map<(d0, d1) -> (0, 0)>
#map1 = affine_map<(d0, d1) -> (0)>
module attributes {stable_mosaic.version = 14 : i64} {
  func.func @k(%arg0: i32, %arg1: i32, %arg2: memref<32768x2048xf32, #tpu.memory_space<hbm>>, %arg3: memref<1024xi32, #tpu.memory_space<hbm>>, %arg4: memref<1024x2048xf32, #tpu.memory_space<hbm>>, %arg5: memref<32xi32, #tpu.memory_space<vmem>>, %arg6: memref<4x8x2048xf32, #tpu.memory_space<vmem>>, %arg7: memref<!tpu.dma_semaphore, #tpu.memory_space<semaphore_mem>>, %arg8: memref<!tpu.dma_semaphore, #tpu.memory_space<semaphore_mem>>, %arg9: memref<!tpu.dma_semaphore, #tpu.memory_space<semaphore_mem>>, %arg10: memref<!tpu.dma_semaphore, #tpu.memory_space<semaphore_mem>>, %arg11: memref<!tpu.dma_semaphore, #tpu.memory_space<semaphore_mem>>, %arg12: memref<!tpu.dma_semaphore, #tpu.memory_space<semaphore_mem>>, %arg13: memref<!tpu.dma_semaphore, #tpu.memory_space<semaphore_mem>>, %arg14: memref<!tpu.dma_semaphore, #tpu.memory_space<semaphore_mem>>) attributes {dimension_semantics = [#tpu.dimension_semantics<core_parallel>, #tpu.dimension_semantics<subcore_parallel>], iteration_bounds = array<i64: 2, 16>, scalar_prefetch = 0 : i64, scratch_operands = 10 : i64, tpu.core_type = #tpu.core_type<sc_vector_subcore>, window_params = [{transform_indices = #map}, {transform_indices = #map1}, {transform_indices = #map}]} {
    %mul3A = arith.constant 2 : i32
    %mul3A_0 = arith.muli %arg1, %mul3A : i32
    %add3A = arith.addi %mul3A_0, %arg0 : i32
    %mul3A_1 = arith.constant 32 : i32
    %mul3A_2 = arith.muli %add3A, %mul3A_1 : i32
    "tpu.region"() ({
      %run_scoped3A = tpu.sem_alloc : memref<!tpu.dma_semaphore, #tpu.memory_space<semaphore_mem>>
      %dma_start3A_193 = tpu.memref_slice %arg3[%mul3A_2] : memref<1024xi32, #tpu.memory_space<hbm>> -> memref<32xi32, #tpu.memory_space<hbm>>
      %dma_start3A_194 = tpu.memref_slice %arg3[%mul3A_2] : memref<1024xi32, #tpu.memory_space<hbm>> -> memref<32xi32, #tpu.memory_space<hbm>>
      tpu.enqueue_dma source(%dma_start3A_194 : memref<32xi32, #tpu.memory_space<hbm>>) target(%arg5 : memref<32xi32, #tpu.memory_space<vmem>>) target_semaphore(%run_scoped3A : memref<!tpu.dma_semaphore, #tpu.memory_space<semaphore_mem>>)
      %dma_wait3A_195 = tpu.memref_slice %arg3[%mul3A_2] : memref<1024xi32, #tpu.memory_space<hbm>> -> memref<32xi32, #tpu.memory_space<hbm>>
      %dma_wait3A_196 = tpu.memref_slice %arg3[%mul3A_2] : memref<1024xi32, #tpu.memory_space<hbm>> -> memref<32xi32, #tpu.memory_space<hbm>>
      tpu.wait_dma2 semaphore(%run_scoped3A : memref<!tpu.dma_semaphore, #tpu.memory_space<semaphore_mem>>) src(%dma_wait3A_196 : memref<32xi32, #tpu.memory_space<hbm>>) dst(%arg5 : memref<32xi32, #tpu.memory_space<vmem>>)
      tpu.yield
    }) : () -> ()
    %dma_start3A = arith.constant 0 : i32
    %dma_start3A_3 = arith.constant 0 : i32
    %dma_start3A_4 = arith.constant 0 : i32
    %dma_start3A_5 = tpu.memref_slice %arg6[%dma_start3A, %dma_start3A_3, %dma_start3A_4] : memref<4x8x2048xf32, #tpu.memory_space<vmem>> -> memref<1x8x2048xf32, #tpu.memory_space<vmem>>
    %dma_start3A_6 = tpu.memref_squeeze %dma_start3A_5 : memref<1x8x2048xf32, #tpu.memory_space<vmem>> -> memref<8x2048xf32, #tpu.memory_space<vmem>>
    %dma_start3A_7 = arith.constant 0 : i32
    %dma_start3A_8 = tpu.memref_slice %arg5[%dma_start3A_7] : memref<32xi32, #tpu.memory_space<vmem>> -> memref<8xi32, #tpu.memory_space<vmem>>
    %dma_start3A_9 = arith.constant 0 : i32
    %dma_start3A_10 = arith.constant 0 : i32
    %dma_start3A_11 = tpu.memref_slice %arg2[%dma_start3A_9, %dma_start3A_10] : memref<32768x2048xf32, #tpu.memory_space<hbm>> -> memref<32768x2048xf32, #tpu.memory_space<hbm>>
    tpu.enqueue_indirect_dma source(%dma_start3A_11 : memref<32768x2048xf32, #tpu.memory_space<hbm>>) target(%dma_start3A_6 : memref<8x2048xf32, #tpu.memory_space<vmem>>) offsets(%dma_start3A_8 : memref<8xi32, #tpu.memory_space<vmem>>) semaphore(%arg7 : memref<!tpu.dma_semaphore, #tpu.memory_space<semaphore_mem>>)
    %dma_start3A_12 = arith.constant 1 : i32
    %dma_start3A_13 = arith.constant 0 : i32
    %dma_start3A_14 = arith.constant 0 : i32
    %dma_start3A_15 = tpu.memref_slice %arg6[%dma_start3A_12, %dma_start3A_13, %dma_start3A_14] : memref<4x8x2048xf32, #tpu.memory_space<vmem>> -> memref<1x8x2048xf32, #tpu.memory_space<vmem>>
    %dma_start3A_16 = tpu.memref_squeeze %dma_start3A_15 : memref<1x8x2048xf32, #tpu.memory_space<vmem>> -> memref<8x2048xf32, #tpu.memory_space<vmem>>
    %dma_start3A_17 = arith.constant 8 : i32
    %dma_start3A_18 = tpu.memref_slice %arg5[%dma_start3A_17] : memref<32xi32, #tpu.memory_space<vmem>> -> memref<8xi32, #tpu.memory_space<vmem>>
    %dma_start3A_19 = arith.constant 0 : i32
    %dma_start3A_20 = arith.constant 0 : i32
    %dma_start3A_21 = tpu.memref_slice %arg2[%dma_start3A_19, %dma_start3A_20] : memref<32768x2048xf32, #tpu.memory_space<hbm>> -> memref<32768x2048xf32, #tpu.memory_space<hbm>>
    tpu.enqueue_indirect_dma source(%dma_start3A_21 : memref<32768x2048xf32, #tpu.memory_space<hbm>>) target(%dma_start3A_16 : memref<8x2048xf32, #tpu.memory_space<vmem>>) offsets(%dma_start3A_18 : memref<8xi32, #tpu.memory_space<vmem>>) semaphore(%arg8 : memref<!tpu.dma_semaphore, #tpu.memory_space<semaphore_mem>>)
    %dma_start3A_22 = arith.constant 2 : i32
    %dma_start3A_23 = arith.constant 0 : i32
    %dma_start3A_24 = arith.constant 0 : i32
    %dma_start3A_25 = tpu.memref_slice %arg6[%dma_start3A_22, %dma_start3A_23, %dma_start3A_24] : memref<4x8x2048xf32, #tpu.memory_space<vmem>> -> memref<1x8x2048xf32, #tpu.memory_space<vmem>>
    %dma_start3A_26 = tpu.memref_squeeze %dma_start3A_25 : memref<1x8x2048xf32, #tpu.memory_space<vmem>> -> memref<8x2048xf32, #tpu.memory_space<vmem>>
    %dma_start3A_27 = arith.constant 16 : i32
    %dma_start3A_28 = tpu.memref_slice %arg5[%dma_start3A_27] : memref<32xi32, #tpu.memory_space<vmem>> -> memref<8xi32, #tpu.memory_space<vmem>>
    %dma_start3A_29 = arith.constant 0 : i32
    %dma_start3A_30 = arith.constant 0 : i32
    %dma_start3A_31 = tpu.memref_slice %arg2[%dma_start3A_29, %dma_start3A_30] : memref<32768x2048xf32, #tpu.memory_space<hbm>> -> memref<32768x2048xf32, #tpu.memory_space<hbm>>
    tpu.enqueue_indirect_dma source(%dma_start3A_31 : memref<32768x2048xf32, #tpu.memory_space<hbm>>) target(%dma_start3A_26 : memref<8x2048xf32, #tpu.memory_space<vmem>>) offsets(%dma_start3A_28 : memref<8xi32, #tpu.memory_space<vmem>>) semaphore(%arg9 : memref<!tpu.dma_semaphore, #tpu.memory_space<semaphore_mem>>)
    %dma_start3A_32 = arith.constant 3 : i32
    %dma_start3A_33 = arith.constant 0 : i32
    %dma_start3A_34 = arith.constant 0 : i32
    %dma_start3A_35 = tpu.memref_slice %arg6[%dma_start3A_32, %dma_start3A_33, %dma_start3A_34] : memref<4x8x2048xf32, #tpu.memory_space<vmem>> -> memref<1x8x2048xf32, #tpu.memory_space<vmem>>
    %dma_start3A_36 = tpu.memref_squeeze %dma_start3A_35 : memref<1x8x2048xf32, #tpu.memory_space<vmem>> -> memref<8x2048xf32, #tpu.memory_space<vmem>>
    %dma_start3A_37 = arith.constant 24 : i32
    %dma_start3A_38 = tpu.memref_slice %arg5[%dma_start3A_37] : memref<32xi32, #tpu.memory_space<vmem>> -> memref<8xi32, #tpu.memory_space<vmem>>
    %dma_start3A_39 = arith.constant 0 : i32
    %dma_start3A_40 = arith.constant 0 : i32
    %dma_start3A_41 = tpu.memref_slice %arg2[%dma_start3A_39, %dma_start3A_40] : memref<32768x2048xf32, #tpu.memory_space<hbm>> -> memref<32768x2048xf32, #tpu.memory_space<hbm>>
    tpu.enqueue_indirect_dma source(%dma_start3A_41 : memref<32768x2048xf32, #tpu.memory_space<hbm>>) target(%dma_start3A_36 : memref<8x2048xf32, #tpu.memory_space<vmem>>) offsets(%dma_start3A_38 : memref<8xi32, #tpu.memory_space<vmem>>) semaphore(%arg10 : memref<!tpu.dma_semaphore, #tpu.memory_space<semaphore_mem>>)
    %dma_wait3A = arith.constant 0 : i32
    %dma_wait3A_42 = arith.constant 0 : i32
    %dma_wait3A_43 = arith.constant 0 : i32
    %dma_wait3A_44 = tpu.memref_slice %arg6[%dma_wait3A, %dma_wait3A_42, %dma_wait3A_43] : memref<4x8x2048xf32, #tpu.memory_space<vmem>> -> memref<1x8x2048xf32, #tpu.memory_space<vmem>>
    %dma_wait3A_45 = tpu.memref_squeeze %dma_wait3A_44 : memref<1x8x2048xf32, #tpu.memory_space<vmem>> -> memref<8x2048xf32, #tpu.memory_space<vmem>>
    %dma_wait3A_46 = arith.constant 0 : i32
    %dma_wait3A_47 = tpu.memref_slice %arg5[%dma_wait3A_46] : memref<32xi32, #tpu.memory_space<vmem>> -> memref<8xi32, #tpu.memory_space<vmem>>
    %dma_wait3A_48 = arith.constant 0 : i32
    %dma_wait3A_49 = arith.constant 0 : i32
    %dma_wait3A_50 = tpu.memref_slice %arg2[%dma_wait3A_48, %dma_wait3A_49] : memref<32768x2048xf32, #tpu.memory_space<hbm>> -> memref<32768x2048xf32, #tpu.memory_space<hbm>>
    tpu.wait_indirect_dma semaphore(%arg7 : memref<!tpu.dma_semaphore, #tpu.memory_space<semaphore_mem>>) src(%dma_wait3A_50 : memref<32768x2048xf32, #tpu.memory_space<hbm>>) dst(%dma_wait3A_45 : memref<8x2048xf32, #tpu.memory_space<vmem>>)
    %add3A_51 = arith.constant 0 : i32
    %add3A_52 = arith.addi %mul3A_2, %add3A_51 : i32
    %dma_start3A_53 = arith.constant 0 : i32
    %dma_start3A_54 = arith.constant 0 : i32
    %dma_start3A_55 = arith.constant 0 : i32
    %dma_start3A_56 = tpu.memref_slice %arg6[%dma_start3A_53, %dma_start3A_54, %dma_start3A_55] : memref<4x8x2048xf32, #tpu.memory_space<vmem>> -> memref<1x8x2048xf32, #tpu.memory_space<vmem>>
    %dma_start3A_57 = tpu.memref_squeeze %dma_start3A_56 : memref<1x8x2048xf32, #tpu.memory_space<vmem>> -> memref<8x2048xf32, #tpu.memory_space<vmem>>
    %dma_start3A_58 = arith.constant 0 : i32
    %dma_start3A_59 = tpu.memref_slice %arg4[%add3A_52, %dma_start3A_58] : memref<1024x2048xf32, #tpu.memory_space<hbm>> -> memref<8x2048xf32, #tpu.memory_space<hbm>>
    %dma_start3A_60 = arith.constant 0 : i32
    %dma_start3A_61 = tpu.memref_slice %arg4[%add3A_52, %dma_start3A_60] : memref<1024x2048xf32, #tpu.memory_space<hbm>> -> memref<8x2048xf32, #tpu.memory_space<hbm>>
    %dma_start3A_62 = arith.constant 0 : i32
    %dma_start3A_63 = arith.constant 0 : i32
    %dma_start3A_64 = tpu.memref_slice %arg6[%dma_start3A_53, %dma_start3A_62, %dma_start3A_63] : memref<4x8x2048xf32, #tpu.memory_space<vmem>> -> memref<1x8x2048xf32, #tpu.memory_space<vmem>>
    %dma_start3A_65 = tpu.memref_squeeze %dma_start3A_64 : memref<1x8x2048xf32, #tpu.memory_space<vmem>> -> memref<8x2048xf32, #tpu.memory_space<vmem>>
    tpu.enqueue_dma source(%dma_start3A_65 : memref<8x2048xf32, #tpu.memory_space<vmem>>) target(%dma_start3A_61 : memref<8x2048xf32, #tpu.memory_space<hbm>>) target_semaphore(%arg11 : memref<!tpu.dma_semaphore, #tpu.memory_space<semaphore_mem>>)
    %dma_wait3A_66 = arith.constant 1 : i32
    %dma_wait3A_67 = arith.constant 0 : i32
    %dma_wait3A_68 = arith.constant 0 : i32
    %dma_wait3A_69 = tpu.memref_slice %arg6[%dma_wait3A_66, %dma_wait3A_67, %dma_wait3A_68] : memref<4x8x2048xf32, #tpu.memory_space<vmem>> -> memref<1x8x2048xf32, #tpu.memory_space<vmem>>
    %dma_wait3A_70 = tpu.memref_squeeze %dma_wait3A_69 : memref<1x8x2048xf32, #tpu.memory_space<vmem>> -> memref<8x2048xf32, #tpu.memory_space<vmem>>
    %dma_wait3A_71 = arith.constant 8 : i32
    %dma_wait3A_72 = tpu.memref_slice %arg5[%dma_wait3A_71] : memref<32xi32, #tpu.memory_space<vmem>> -> memref<8xi32, #tpu.memory_space<vmem>>
    %dma_wait3A_73 = arith.constant 0 : i32
    %dma_wait3A_74 = arith.constant 0 : i32
    %dma_wait3A_75 = tpu.memref_slice %arg2[%dma_wait3A_73, %dma_wait3A_74] : memref<32768x2048xf32, #tpu.memory_space<hbm>> -> memref<32768x2048xf32, #tpu.memory_space<hbm>>
    tpu.wait_indirect_dma semaphore(%arg8 : memref<!tpu.dma_semaphore, #tpu.memory_space<semaphore_mem>>) src(%dma_wait3A_75 : memref<32768x2048xf32, #tpu.memory_space<hbm>>) dst(%dma_wait3A_70 : memref<8x2048xf32, #tpu.memory_space<vmem>>)
    %add3A_76 = arith.constant 8 : i32
    %add3A_77 = arith.addi %mul3A_2, %add3A_76 : i32
    %dma_start3A_78 = arith.constant 1 : i32
    %dma_start3A_79 = arith.constant 0 : i32
    %dma_start3A_80 = arith.constant 0 : i32
    %dma_start3A_81 = tpu.memref_slice %arg6[%dma_start3A_78, %dma_start3A_79, %dma_start3A_80] : memref<4x8x2048xf32, #tpu.memory_space<vmem>> -> memref<1x8x2048xf32, #tpu.memory_space<vmem>>
    %dma_start3A_82 = tpu.memref_squeeze %dma_start3A_81 : memref<1x8x2048xf32, #tpu.memory_space<vmem>> -> memref<8x2048xf32, #tpu.memory_space<vmem>>
    %dma_start3A_83 = arith.constant 0 : i32
    %dma_start3A_84 = tpu.memref_slice %arg4[%add3A_77, %dma_start3A_83] : memref<1024x2048xf32, #tpu.memory_space<hbm>> -> memref<8x2048xf32, #tpu.memory_space<hbm>>
    %dma_start3A_85 = arith.constant 0 : i32
    %dma_start3A_86 = tpu.memref_slice %arg4[%add3A_77, %dma_start3A_85] : memref<1024x2048xf32, #tpu.memory_space<hbm>> -> memref<8x2048xf32, #tpu.memory_space<hbm>>
    %dma_start3A_87 = arith.constant 0 : i32
    %dma_start3A_88 = arith.constant 0 : i32
    %dma_start3A_89 = tpu.memref_slice %arg6[%dma_start3A_78, %dma_start3A_87, %dma_start3A_88] : memref<4x8x2048xf32, #tpu.memory_space<vmem>> -> memref<1x8x2048xf32, #tpu.memory_space<vmem>>
    %dma_start3A_90 = tpu.memref_squeeze %dma_start3A_89 : memref<1x8x2048xf32, #tpu.memory_space<vmem>> -> memref<8x2048xf32, #tpu.memory_space<vmem>>
    tpu.enqueue_dma source(%dma_start3A_90 : memref<8x2048xf32, #tpu.memory_space<vmem>>) target(%dma_start3A_86 : memref<8x2048xf32, #tpu.memory_space<hbm>>) target_semaphore(%arg12 : memref<!tpu.dma_semaphore, #tpu.memory_space<semaphore_mem>>)
    %dma_wait3A_91 = arith.constant 2 : i32
    %dma_wait3A_92 = arith.constant 0 : i32
    %dma_wait3A_93 = arith.constant 0 : i32
    %dma_wait3A_94 = tpu.memref_slice %arg6[%dma_wait3A_91, %dma_wait3A_92, %dma_wait3A_93] : memref<4x8x2048xf32, #tpu.memory_space<vmem>> -> memref<1x8x2048xf32, #tpu.memory_space<vmem>>
    %dma_wait3A_95 = tpu.memref_squeeze %dma_wait3A_94 : memref<1x8x2048xf32, #tpu.memory_space<vmem>> -> memref<8x2048xf32, #tpu.memory_space<vmem>>
    %dma_wait3A_96 = arith.constant 16 : i32
    %dma_wait3A_97 = tpu.memref_slice %arg5[%dma_wait3A_96] : memref<32xi32, #tpu.memory_space<vmem>> -> memref<8xi32, #tpu.memory_space<vmem>>
    %dma_wait3A_98 = arith.constant 0 : i32
    %dma_wait3A_99 = arith.constant 0 : i32
    %dma_wait3A_100 = tpu.memref_slice %arg2[%dma_wait3A_98, %dma_wait3A_99] : memref<32768x2048xf32, #tpu.memory_space<hbm>> -> memref<32768x2048xf32, #tpu.memory_space<hbm>>
    tpu.wait_indirect_dma semaphore(%arg9 : memref<!tpu.dma_semaphore, #tpu.memory_space<semaphore_mem>>) src(%dma_wait3A_100 : memref<32768x2048xf32, #tpu.memory_space<hbm>>) dst(%dma_wait3A_95 : memref<8x2048xf32, #tpu.memory_space<vmem>>)
    %add3A_101 = arith.constant 16 : i32
    %add3A_102 = arith.addi %mul3A_2, %add3A_101 : i32
    %dma_start3A_103 = arith.constant 2 : i32
    %dma_start3A_104 = arith.constant 0 : i32
    %dma_start3A_105 = arith.constant 0 : i32
    %dma_start3A_106 = tpu.memref_slice %arg6[%dma_start3A_103, %dma_start3A_104, %dma_start3A_105] : memref<4x8x2048xf32, #tpu.memory_space<vmem>> -> memref<1x8x2048xf32, #tpu.memory_space<vmem>>
    %dma_start3A_107 = tpu.memref_squeeze %dma_start3A_106 : memref<1x8x2048xf32, #tpu.memory_space<vmem>> -> memref<8x2048xf32, #tpu.memory_space<vmem>>
    %dma_start3A_108 = arith.constant 0 : i32
    %dma_start3A_109 = tpu.memref_slice %arg4[%add3A_102, %dma_start3A_108] : memref<1024x2048xf32, #tpu.memory_space<hbm>> -> memref<8x2048xf32, #tpu.memory_space<hbm>>
    %dma_start3A_110 = arith.constant 0 : i32
    %dma_start3A_111 = tpu.memref_slice %arg4[%add3A_102, %dma_start3A_110] : memref<1024x2048xf32, #tpu.memory_space<hbm>> -> memref<8x2048xf32, #tpu.memory_space<hbm>>
    %dma_start3A_112 = arith.constant 0 : i32
    %dma_start3A_113 = arith.constant 0 : i32
    %dma_start3A_114 = tpu.memref_slice %arg6[%dma_start3A_103, %dma_start3A_112, %dma_start3A_113] : memref<4x8x2048xf32, #tpu.memory_space<vmem>> -> memref<1x8x2048xf32, #tpu.memory_space<vmem>>
    %dma_start3A_115 = tpu.memref_squeeze %dma_start3A_114 : memref<1x8x2048xf32, #tpu.memory_space<vmem>> -> memref<8x2048xf32, #tpu.memory_space<vmem>>
    tpu.enqueue_dma source(%dma_start3A_115 : memref<8x2048xf32, #tpu.memory_space<vmem>>) target(%dma_start3A_111 : memref<8x2048xf32, #tpu.memory_space<hbm>>) target_semaphore(%arg13 : memref<!tpu.dma_semaphore, #tpu.memory_space<semaphore_mem>>)
    %dma_wait3A_116 = arith.constant 3 : i32
    %dma_wait3A_117 = arith.constant 0 : i32
    %dma_wait3A_118 = arith.constant 0 : i32
    %dma_wait3A_119 = tpu.memref_slice %arg6[%dma_wait3A_116, %dma_wait3A_117, %dma_wait3A_118] : memref<4x8x2048xf32, #tpu.memory_space<vmem>> -> memref<1x8x2048xf32, #tpu.memory_space<vmem>>
    %dma_wait3A_120 = tpu.memref_squeeze %dma_wait3A_119 : memref<1x8x2048xf32, #tpu.memory_space<vmem>> -> memref<8x2048xf32, #tpu.memory_space<vmem>>
    %dma_wait3A_121 = arith.constant 24 : i32
    %dma_wait3A_122 = tpu.memref_slice %arg5[%dma_wait3A_121] : memref<32xi32, #tpu.memory_space<vmem>> -> memref<8xi32, #tpu.memory_space<vmem>>
    %dma_wait3A_123 = arith.constant 0 : i32
    %dma_wait3A_124 = arith.constant 0 : i32
    %dma_wait3A_125 = tpu.memref_slice %arg2[%dma_wait3A_123, %dma_wait3A_124] : memref<32768x2048xf32, #tpu.memory_space<hbm>> -> memref<32768x2048xf32, #tpu.memory_space<hbm>>
    tpu.wait_indirect_dma semaphore(%arg10 : memref<!tpu.dma_semaphore, #tpu.memory_space<semaphore_mem>>) src(%dma_wait3A_125 : memref<32768x2048xf32, #tpu.memory_space<hbm>>) dst(%dma_wait3A_120 : memref<8x2048xf32, #tpu.memory_space<vmem>>)
    %add3A_126 = arith.constant 24 : i32
    %add3A_127 = arith.addi %mul3A_2, %add3A_126 : i32
    %dma_start3A_128 = arith.constant 3 : i32
    %dma_start3A_129 = arith.constant 0 : i32
    %dma_start3A_130 = arith.constant 0 : i32
    %dma_start3A_131 = tpu.memref_slice %arg6[%dma_start3A_128, %dma_start3A_129, %dma_start3A_130] : memref<4x8x2048xf32, #tpu.memory_space<vmem>> -> memref<1x8x2048xf32, #tpu.memory_space<vmem>>
    %dma_start3A_132 = tpu.memref_squeeze %dma_start3A_131 : memref<1x8x2048xf32, #tpu.memory_space<vmem>> -> memref<8x2048xf32, #tpu.memory_space<vmem>>
    %dma_start3A_133 = arith.constant 0 : i32
    %dma_start3A_134 = tpu.memref_slice %arg4[%add3A_127, %dma_start3A_133] : memref<1024x2048xf32, #tpu.memory_space<hbm>> -> memref<8x2048xf32, #tpu.memory_space<hbm>>
    %dma_start3A_135 = arith.constant 0 : i32
    %dma_start3A_136 = tpu.memref_slice %arg4[%add3A_127, %dma_start3A_135] : memref<1024x2048xf32, #tpu.memory_space<hbm>> -> memref<8x2048xf32, #tpu.memory_space<hbm>>
    %dma_start3A_137 = arith.constant 0 : i32
    %dma_start3A_138 = arith.constant 0 : i32
    %dma_start3A_139 = tpu.memref_slice %arg6[%dma_start3A_128, %dma_start3A_137, %dma_start3A_138] : memref<4x8x2048xf32, #tpu.memory_space<vmem>> -> memref<1x8x2048xf32, #tpu.memory_space<vmem>>
    %dma_start3A_140 = tpu.memref_squeeze %dma_start3A_139 : memref<1x8x2048xf32, #tpu.memory_space<vmem>> -> memref<8x2048xf32, #tpu.memory_space<vmem>>
    tpu.enqueue_dma source(%dma_start3A_140 : memref<8x2048xf32, #tpu.memory_space<vmem>>) target(%dma_start3A_136 : memref<8x2048xf32, #tpu.memory_space<hbm>>) target_semaphore(%arg14 : memref<!tpu.dma_semaphore, #tpu.memory_space<semaphore_mem>>)
    %dma_wait3A_141 = arith.constant 0 : i32
    %dma_wait3A_142 = arith.constant 0 : i32
    %dma_wait3A_143 = arith.constant 0 : i32
    %dma_wait3A_144 = tpu.memref_slice %arg6[%dma_wait3A_141, %dma_wait3A_142, %dma_wait3A_143] : memref<4x8x2048xf32, #tpu.memory_space<vmem>> -> memref<1x8x2048xf32, #tpu.memory_space<vmem>>
    %dma_wait3A_145 = tpu.memref_squeeze %dma_wait3A_144 : memref<1x8x2048xf32, #tpu.memory_space<vmem>> -> memref<8x2048xf32, #tpu.memory_space<vmem>>
    %dma_wait3A_146 = arith.constant 0 : i32
    %dma_wait3A_147 = tpu.memref_slice %arg4[%add3A_52, %dma_wait3A_146] : memref<1024x2048xf32, #tpu.memory_space<hbm>> -> memref<8x2048xf32, #tpu.memory_space<hbm>>
    %dma_wait3A_148 = arith.constant 0 : i32
    %dma_wait3A_149 = tpu.memref_slice %arg4[%add3A_52, %dma_wait3A_148] : memref<1024x2048xf32, #tpu.memory_space<hbm>> -> memref<8x2048xf32, #tpu.memory_space<hbm>>
    %dma_wait3A_150 = arith.constant 0 : i32
    %dma_wait3A_151 = arith.constant 0 : i32
    %dma_wait3A_152 = tpu.memref_slice %arg6[%dma_wait3A_141, %dma_wait3A_150, %dma_wait3A_151] : memref<4x8x2048xf32, #tpu.memory_space<vmem>> -> memref<1x8x2048xf32, #tpu.memory_space<vmem>>
    %dma_wait3A_153 = tpu.memref_squeeze %dma_wait3A_152 : memref<1x8x2048xf32, #tpu.memory_space<vmem>> -> memref<8x2048xf32, #tpu.memory_space<vmem>>
    tpu.wait_dma2 semaphore(%arg11 : memref<!tpu.dma_semaphore, #tpu.memory_space<semaphore_mem>>) src(%dma_wait3A_153 : memref<8x2048xf32, #tpu.memory_space<vmem>>) dst(%dma_wait3A_149 : memref<8x2048xf32, #tpu.memory_space<hbm>>)
    %dma_wait3A_154 = arith.constant 1 : i32
    %dma_wait3A_155 = arith.constant 0 : i32
    %dma_wait3A_156 = arith.constant 0 : i32
    %dma_wait3A_157 = tpu.memref_slice %arg6[%dma_wait3A_154, %dma_wait3A_155, %dma_wait3A_156] : memref<4x8x2048xf32, #tpu.memory_space<vmem>> -> memref<1x8x2048xf32, #tpu.memory_space<vmem>>
    %dma_wait3A_158 = tpu.memref_squeeze %dma_wait3A_157 : memref<1x8x2048xf32, #tpu.memory_space<vmem>> -> memref<8x2048xf32, #tpu.memory_space<vmem>>
    %dma_wait3A_159 = arith.constant 0 : i32
    %dma_wait3A_160 = tpu.memref_slice %arg4[%add3A_77, %dma_wait3A_159] : memref<1024x2048xf32, #tpu.memory_space<hbm>> -> memref<8x2048xf32, #tpu.memory_space<hbm>>
    %dma_wait3A_161 = arith.constant 0 : i32
    %dma_wait3A_162 = tpu.memref_slice %arg4[%add3A_77, %dma_wait3A_161] : memref<1024x2048xf32, #tpu.memory_space<hbm>> -> memref<8x2048xf32, #tpu.memory_space<hbm>>
    %dma_wait3A_163 = arith.constant 0 : i32
    %dma_wait3A_164 = arith.constant 0 : i32
    %dma_wait3A_165 = tpu.memref_slice %arg6[%dma_wait3A_154, %dma_wait3A_163, %dma_wait3A_164] : memref<4x8x2048xf32, #tpu.memory_space<vmem>> -> memref<1x8x2048xf32, #tpu.memory_space<vmem>>
    %dma_wait3A_166 = tpu.memref_squeeze %dma_wait3A_165 : memref<1x8x2048xf32, #tpu.memory_space<vmem>> -> memref<8x2048xf32, #tpu.memory_space<vmem>>
    tpu.wait_dma2 semaphore(%arg12 : memref<!tpu.dma_semaphore, #tpu.memory_space<semaphore_mem>>) src(%dma_wait3A_166 : memref<8x2048xf32, #tpu.memory_space<vmem>>) dst(%dma_wait3A_162 : memref<8x2048xf32, #tpu.memory_space<hbm>>)
    %dma_wait3A_167 = arith.constant 2 : i32
    %dma_wait3A_168 = arith.constant 0 : i32
    %dma_wait3A_169 = arith.constant 0 : i32
    %dma_wait3A_170 = tpu.memref_slice %arg6[%dma_wait3A_167, %dma_wait3A_168, %dma_wait3A_169] : memref<4x8x2048xf32, #tpu.memory_space<vmem>> -> memref<1x8x2048xf32, #tpu.memory_space<vmem>>
    %dma_wait3A_171 = tpu.memref_squeeze %dma_wait3A_170 : memref<1x8x2048xf32, #tpu.memory_space<vmem>> -> memref<8x2048xf32, #tpu.memory_space<vmem>>
    %dma_wait3A_172 = arith.constant 0 : i32
    %dma_wait3A_173 = tpu.memref_slice %arg4[%add3A_102, %dma_wait3A_172] : memref<1024x2048xf32, #tpu.memory_space<hbm>> -> memref<8x2048xf32, #tpu.memory_space<hbm>>
    %dma_wait3A_174 = arith.constant 0 : i32
    %dma_wait3A_175 = tpu.memref_slice %arg4[%add3A_102, %dma_wait3A_174] : memref<1024x2048xf32, #tpu.memory_space<hbm>> -> memref<8x2048xf32, #tpu.memory_space<hbm>>
    %dma_wait3A_176 = arith.constant 0 : i32
    %dma_wait3A_177 = arith.constant 0 : i32
    %dma_wait3A_178 = tpu.memref_slice %arg6[%dma_wait3A_167, %dma_wait3A_176, %dma_wait3A_177] : memref<4x8x2048xf32, #tpu.memory_space<vmem>> -> memref<1x8x2048xf32, #tpu.memory_space<vmem>>
    %dma_wait3A_179 = tpu.memref_squeeze %dma_wait3A_178 : memref<1x8x2048xf32, #tpu.memory_space<vmem>> -> memref<8x2048xf32, #tpu.memory_space<vmem>>
    tpu.wait_dma2 semaphore(%arg13 : memref<!tpu.dma_semaphore, #tpu.memory_space<semaphore_mem>>) src(%dma_wait3A_179 : memref<8x2048xf32, #tpu.memory_space<vmem>>) dst(%dma_wait3A_175 : memref<8x2048xf32, #tpu.memory_space<hbm>>)
    %dma_wait3A_180 = arith.constant 3 : i32
    %dma_wait3A_181 = arith.constant 0 : i32
    %dma_wait3A_182 = arith.constant 0 : i32
    %dma_wait3A_183 = tpu.memref_slice %arg6[%dma_wait3A_180, %dma_wait3A_181, %dma_wait3A_182] : memref<4x8x2048xf32, #tpu.memory_space<vmem>> -> memref<1x8x2048xf32, #tpu.memory_space<vmem>>
    %dma_wait3A_184 = tpu.memref_squeeze %dma_wait3A_183 : memref<1x8x2048xf32, #tpu.memory_space<vmem>> -> memref<8x2048xf32, #tpu.memory_space<vmem>>
    %dma_wait3A_185 = arith.constant 0 : i32
    %dma_wait3A_186 = tpu.memref_slice %arg4[%add3A_127, %dma_wait3A_185] : memref<1024x2048xf32, #tpu.memory_space<hbm>> -> memref<8x2048xf32, #tpu.memory_space<hbm>>
    %dma_wait3A_187 = arith.constant 0 : i32
    %dma_wait3A_188 = tpu.memref_slice %arg4[%add3A_127, %dma_wait3A_187] : memref<1024x2048xf32, #tpu.memory_space<hbm>> -> memref<8x2048xf32, #tpu.memory_space<hbm>>
    %dma_wait3A_189 = arith.constant 0 : i32
    %dma_wait3A_190 = arith.constant 0 : i32
    %dma_wait3A_191 = tpu.memref_slice %arg6[%dma_wait3A_180, %dma_wait3A_189, %dma_wait3A_190] : memref<4x8x2048xf32, #tpu.memory_space<vmem>> -> memref<1x8x2048xf32, #tpu.memory_space<vmem>>
    %dma_wait3A_192 = tpu.memref_squeeze %dma_wait3A_191 : memref<1x8x2048xf32, #tpu.memory_space<vmem>> -> memref<8x2048xf32, #tpu.memory_space<vmem>>
    tpu.wait_dma2 semaphore(%arg14 : memref<!tpu.dma_semaphore, #tpu.memory_space<semaphore_mem>>) src(%dma_wait3A_192 : memref<8x2048xf32, #tpu.memory_space<vmem>>) dst(%dma_wait3A_188 : memref<8x2048xf32, #tpu.memory_space<hbm>>)
    return
  }
}

</mosaic_0001>

<sc_bundles>
// kernel: kernel.3.cloned.1.call-start
scs
__scs_entry_jumppad:
0x0: {  	(pc) =	sbr.rel $0x88, $3  }
0x1: {  	(tag) =	ssettag $0x0;
	lr =	simm.s32 $0x1  }
0x2: {  	[smem:$0x3FA0] =	sst lr;
	_ =	strace $0xD0000000  }
0x3: {  	_ = 	snop  }
0x4: {  	_ = 	snop  }
0x5: {  	_ = 	snop  }
0x6: {  	_ = 	snop  }
0x7: {  	_ = 	snop  }
__scs_overlays_trampoline_lowered:
0x8: {  	[smem:$0x3FAF] =	sst s0  }
0x9: {  	[smem:$0x3FB0] =	sst s1  }
0xa: {  	[smem:$0x3FB1] =	sst s2  }
0xb: {  	[smem:$0x3FB2] =	sst s3  }
0xc: {  	[smem:$0x3FB3] =	sst s4  }
0xd: {  	[smem:$0x3FB4] =	sst s5  }
0xe: {  	[smem:$0x3FB5] =	sst s6  }
0xf: {  	[smem:$0x3FB6] =	sst s7  }
0x10: {  	[smem:$0x3FB7] =	sst s8  }
0x11: {  	[smem:$0x3FB8] =	sst s9;
	s0 =	simm.s32 @!p0 $0x0  }
0x12: {  	s1 =	sld [smem:$0x3F9E];
	s0 =	simm.s32 @p0 $0x1  }
0x13: {  	[smem:$0x3FB9] =	sst s0;
	s0 =	simm.s32 @!p1 $0x0  }
0x14: {  	s2 =	sld [smem:$0x3F9D];
	s0 =	simm.s32 @p1 $0x1  }
0x15: {  	[smem:$0x3FBA] =	sst s0;
	s0 =	simm.s32 @!p2 $0x0  }
0x16: {  	s3 =	sld [smem:$0x3FDB];
	s0 =	simm.s32 @p2 $0x1  }
0x17: {  	s4 =	simm.s32 $0x1BF5;
	[smem:$0x3FBC] =	sst s0  }
0x18: {  	s0 =	sld [smem:$0x3F9F];
	_ =	swait.ge [sflag:s4], $0x0  }
0x19: {  	s7 =	sld [smem:$0x3FA0]  }
0x1a: {  	s8 =	sadd.s32 $0xFFFFE003, lr  }
0x1b: {  	s9 =	sadd.s32 $0xFFFFFEF7, lr;
	s5 =	simm.s32 $0xFFFFFFFF;
	p2 =	slt.u32 s8, $0xFFFFF086  }
0x1c: {  	p1 =	slt.u32 s9, $0xF7A;
	s5 =	simm.s32 @!p2 $0x0  }
0x1d: {  	s5 =	simm.s32 @p1 $0x1;
	p0 =	seq.s32 s7, s2  }
0x1e: {  	s7 =	smul.u32 @!p0 $0xF7A, s2;
	p2 =	seq.s32 @!p0 s5, $0x0  }
0x1f: {  	s9 =	smul.u32 $0xF7A, s1;
	s8 =	simm.s32 @!p0 $0x1BF5;
	p2 =	por !p2, p0  }
0x20: {  	[sflag:s8] =	ssyncset.s32 @!p0 $0xFFFFF086;
	s6 =	sadd.s32 @!p0 s3, s7;
	s7 =	simm.s32 @!p0 $0x108  }
0x21: {  	s3 =	sadd.s32 s3, s9;
	s6 =	sadd.s32 @!p0 $0x88, s6;
	s7 =	simm.s32 @p2 $0x1082  }
0x22: {  	[simem:s7], [sflag:s8] =	dma.local @!p0 [hbm:s6], $0xF7A  }
0x23: {  	s9 =	sor.u32 $0xD0000000, s2;
	s6 =	simm.s32 $0x108;
	_ =	swait.ge @!p0 [sflag:s8], $0x0  }
0x24: {  	s3 =	sadd.s32 $0x88, s3;
	s6 =	simm.s32 @!p1 $0x1082;
	[sflag:s4] =	ssyncset.s32 $0xFFFFF086  }
0x25: {  	[simem:s6], [sflag:s4] =	dma.local [hbm:s3], $0xF7A  }
0x26: {  	[smem:$0x3FA0] =	sst s1;
	(tag) =	ssettag s2;
	_ =	strace s9  }
0x27: {  	s1 =	sld [smem:$0x3FB0]  }
0x28: {  	s2 =	sld [smem:$0x3FB1]  }
0x29: {  	s4 =	sld [smem:$0x3FB3]  }
0x2a: {  	p0 =	seq.s32 s5, $0x0;
	s5 =	sld [smem:$0x3FB4]  }
0x2b: {  	s6 =	sld [smem:$0x3FB5]  }
0x2c: {  	s7 =	sld [smem:$0x3FB6]  }
0x2d: {  	s3 =	simm.s32 $0x108;
	s8 =	sld [smem:$0x3FB7]  }
0x2e: {  	s3 =	simm.s32 @!p0 $0x1082;
	s9 =	sld [smem:$0x3FB8]  }
0x2f: {  	lr =	sadd.s32 s0, s3;
	s0 =	sld [smem:$0x3FAF]  }
0x30: {  	s3 =	sld [smem:$0x3FB2]  }
0x31: {  	[smem:$0x3FBB] =	sst s10  }
0x32: {  	s10 =	sld [smem:$0x3FB9];
	_ =	sdelay $0x3  }
0x33: {  	p0 =	seq.s32 s10, $0x1;
	s10 =	sld [smem:$0x3FBB];
	_ =	sdelay $0x3  }
0x34: {  	[smem:$0x3FBB] =	sst s10  }
0x35: {  	s10 =	sld [smem:$0x3FBA];
	_ =	sdelay $0x3  }
0x36: {  	p1 =	seq.s32 s10, $0x1;
	s10 =	sld [smem:$0x3FBB];
	_ =	sdelay $0x3  }
0x37: {  	[smem:$0x3FBB] =	sst s10  }
0x38: {  	s10 =	sld [smem:$0x3FBC]  }
0x39: {  	_ = 	snop;
	(pc) =	sbr.ind lr, $3  }
0x3a: {  	_ = 	snop  }
0x3b: {  	_ = 	snop  }
0x3c: {  	p2 =	seq.s32 s10, $0x1;
	s10 =	sld [smem:$0x3FBB]  }
0x3d: {  	_ =	shalt  }
0x3e: {  	_ =	shalt  }
0x3f: {  	_ =	shalt  }
0x40: {  	_ =	shalt  }
0x41: {  	_ =	shalt  }
0x42: {  	_ =	shalt  }
0x43: {  	_ =	shalt  }
0x44: {  	_ =	shalt  }
0x45: {  	_ =	shalt  }
0x46: {  	_ =	shalt  }
0x47: {  	_ =	shalt  }
0x48: {  	_ =	shalt  }
0x49: {  	_ =	shalt  }
0x4a: {  	_ =	shalt  }
0x4b: {  	_ =	shalt  }
0x4c: {  	_ =	shalt  }
0x4d: {  	_ =	shalt  }
0x4e: {  	_ =	shalt  }
0x4f: {  	_ =	shalt  }
0x50: {  	_ =	shalt  }
0x51: {  	_ =	shalt  }
0x52: {  	_ =	shalt  }
0x53: {  	_ =	shalt  }
0x54: {  	_ =	shalt  }
0x55: {  	_ =	shalt  }
0x56: {  	_ =	shalt  }
0x57: {  	_ =	shalt  }
0x58: {  	_ =	shalt  }
0x59: {  	_ =	shalt  }
0x5a: {  	_ =	shalt  }
0x5b: {  	_ =	shalt  }
0x5c: {  	_ =	shalt  }
0x5d: {  	_ =	shalt  }
0x5e: {  	_ =	shalt  }
0x5f: {  	_ =	shalt  }
0x60: {  	_ =	shalt  }
0x61: {  	_ =	shalt  }
0x62: {  	_ =	shalt  }
0x63: {  	_ =	shalt  }
0x64: {  	_ =	shalt  }
0x65: {  	_ =	shalt  }
0x66: {  	_ =	shalt  }
0x67: {  	_ =	shalt  }
0x68: {  	_ =	shalt  }
0x69: {  	_ =	shalt  }
0x6a: {  	_ =	shalt  }
0x6b: {  	_ =	shalt  }
0x6c: {  	_ =	shalt  }
0x6d: {  	_ =	shalt  }
0x6e: {  	_ =	shalt  }
0x6f: {  	_ =	shalt  }
0x70: {  	_ =	shalt  }
0x71: {  	_ =	shalt  }
0x72: {  	_ =	shalt  }
0x73: {  	_ =	shalt  }
0x74: {  	_ =	shalt  }
0x75: {  	_ =	shalt  }
0x76: {  	_ =	shalt  }
0x77: {  	_ =	shalt  }
0x78: {  	_ =	shalt  }
0x79: {  	_ =	shalt  }
0x7a: {  	_ =	shalt  }
0x7b: {  	_ =	shalt  }
0x7c: {  	_ =	shalt  }
0x7d: {  	_ =	shalt  }
0x7e: {  	_ =	shalt  }
0x7f: {  	_ =	shalt  }
0x80: {  	_ =	shalt  }
0x81: {  	_ =	shalt  }
0x82: {  	_ =	shalt  }
0x83: {  	_ =	shalt  }
0x84: {  	_ =	shalt  }
0x85: {  	_ =	shalt  }
0x86: {  	_ =	shalt  }
0x87: {  	_ =	shalt  }
.Lfunc_end0:
.L_simem_size_0:
called_computation_lowered:
.L_overlay_start_0:
0x88: {  	s2 =	sld [smem:$0x3FD9]  }
0x89: {  	s3 =	sld [smem:$0x3FFE];
	_ =	sdelay $0x1  }
0x8a: {  	s1 =	srdreg.scid  }
0x8b: {  	s0 =	sand.u32 $0x1, s1  }
0x8c: {  	s17 =	sshll.u32 s0, $0xA;
	s2 =	sadd.s32 s3, s2  }
0x8d: {  	s2 =	sadd.s32 s2, s17  }
0x8e: {  	[smem:$0x3FC7] =	sst s2  }
0x8f: {  	_ = 	snop  }
0x90: {  	s2 =	sld [smem:$0x3FC9]  }
0x91: {  	s18 =	sld [smem:$0x3FD0];
	(tm) =	ssettm $0x1  }
0x92: {  	s4 =	sld [smem:$0x3FFB];
	_ =	sdelay $0x3  }
0x93: {  	_ =	strace s4  }
0x94: {  	s4 =	sld [smem:$0x3FFC];
	_ =	sdelay $0x3  }
0x95: {  	_ =	strace s4  }
0x96: {  	s4 =	sld [smem:$0x3FFD];
	_ =	sdelay $0x3  }
0x97: {  	_ =	strace s4  }
0x98: {  	_ =	strace $0x8FFFFFFF  }
0x99: {  	s19 =	sld [smem:$0x3FDB];
	_ =	sdelay $0x1  }
0x9a: {  	s5 =	simm.s32 $_scs_section_size  }
0x9b: {  	s6 =	simm.s32 $_size__tile_overlayer_lowered;
	s7 =	simm.s32 $_tile_overlayer_lowered  }
0x9c: {  	s22 =	simm.s32 $0x1BFF;
	s21 =	sshll.u32 s7, $0x1;
	s4 =	sadd.s32 s5, s19  }
0x9d: {  	s8 =	simm.s32 $0x0;
	s20 =	sshll.u32 s6, $0x1;
	s6 =	sadd.s32 s21, s4  }
0x9e: {  	[timem:s8], [sflag:s22] =	dma.local [hbm:s6], s20  }
0x9f: {  	_ =	swait.ge [sflag:s22], s20  }
0xa0: {  	s5 =	ssub.s32 $0x0, s20;
	[sflag:s22] =	ssyncset.done $0x0  }
0xa1: {  	[sflag:s22] =	ssyncadd.s32 s5;
	_ =	sdelay $0x1  }
0xa2: {  	s23 =	simm.s32 $0x1B8B  }
0xa3: {  	_ =	swait.ge [sflag:s23], $0x1  }
0xa4: {  	[sflag:s23] =	ssyncset.done $0x0  }
0xa5: {  	s25 =	simm.s32 $0x1B8E;
	s24 =	sld [smem:$0x3FFE];
	[sflag:s23] =	ssyncadd.s32 $0xFFFFFFFF  }
0xa6: {  	s26 =	simm.s32 $execute0_lowered;
	[smem:$0x3FD2] =	sst s25  }
0xa7: {  	s6 =	sshll.u32 s26, $0x1;
	_ =	strace $0x80000046;
	[dreg:$0x1] =	wrdreg $0xFFFFFFFF  }
0xa8: {  	s28 =	simm.s32 $_size_execute0_lowered;
	s4 =	sadd.s32 s4, s6;
	[dreg:$0x0] =	wrdreg $0x0  }
0xa9: {  	s6 =	sshll.u32 s28, $0x1;
	[dreg:$0x2] =	wrdreg s4  }
0xaa: {  	[dreg:$0x3] =	wrdreg s6  }
0xab: {  	[dreg:$0x4] =	wrdreg $0xC0  }
0xac: {  	_ =	task [dreg:s8], $0x5FFFF  }
0xad: {  	[dreg:$0x1] =	wrdreg $0xFFFFFFFF  }
0xae: {  	[dreg:$0x0] =	wrdreg $0x60  }
0xaf: {  	[dreg:$0x2] =	wrdreg s2  }
0xb0: {  	[dreg:$0x3] =	wrdreg s24  }
0xb1: {  	[dreg:$0x4] =	wrdreg s18  }
0xb2: {  	[dreg:$0x5] =	wrdreg $0x9  }
0xb3: {  	_ =	task.clear_ibuf [dreg:s8], $0x6FFFF;
	_ =	strace $0x90000046  }
0xb4: {  	s29 =	simm.s32 $0x9;
	_ =	strace $0x80000048  }
0xb5: {  	_ =	swait.ge [sflag:s29], $0x1  }
0xb6: {  	[sflag:s29] =	ssyncadd.s32 $0xFFFFFFFF  }
0xb7: {  	_ =	strace $0x90000048  }
0xb8: {  	_ =	sfence  }
0xb9: {  	s30 =	sld [smem:$0x0];
	_ =	sdelay $0x2  }
0xba: {  	s31 =	sshll.u32 s1, $0xD;
	s1 =	sshrl.u32 s1, $0x2  }
0xbb: {  	s3 =	sand.u32 $0x4000, s31;
	s1 =	sadd.s32 s1, s30  }
0xbc: {  	s0 =	sor.u32 s3, s0;
	s1 =	sshll.u32 s1, $0x11  }
0xbd: {  	s0 =	sor.u32 s1, s0  }
0xbe: {  	s0 =	sadd.s32 $0x8F2B, s0  }
0xbf: {  	[sflag:s0] =	ssyncadd.remote.s32 $0x1  }
0xc0: {  	_ =	sfence.sel $0xFFFF  }
0xc1: {  	[dreg:$0x0] =	wrdreg $0xFFFFFFFF;
	(pc) =	sbr.abs _section_cstart, $3  }
0xc2: {  	[dreg:$0x1] =	wrdreg $0xFFFFFFFF  }
0xc3: {  	_ =	task.clear_ibuf [dreg:s8], $0x2FFFF;
	_ =	strace $0x9FFFFFFF  }
0xc4: {  	(tm) =	ssettm $0x7FFFFFFF  }
0xc5: {  	_ =	shalt  }
tec
execute0_lowered:
.L_overlay_start_1:
0x0: {  	(tag) =	ssettag $0x1  }
0x1: {  	s2 =	srdreg.scid;
	s1 =	rddreg [dreg:$0x0]  }
0x2: {  	s0 =	stileid.u32;
	s4 =	rddreg [dreg:$0x1]  }
0x3: {  	s6 =	rddreg [dreg:$0x2];
	s10 =	simm.s32 $0x880;
	s2 =	sand.u32 $0x1, s2  }
0x4: {  	s11 =	simm.s32 $0x1080;
	s3 =	sshll.u32 s0, $0x6;
	s5 =	sshll.u32 s2, $0x5  }
0x5: {  	s12 =	simm.s32 $0x1880;
	s5 =	sor.u32 s5, s3;
	s3 =	simm.s32 $0x0  }
0x6: {  	s13 =	simm.s32 $0x2080;
	s14 =	simm.s32 $0x2880;
	[smem:$0x7FF] =	sst s3  }
0x7: {  	s15 =	simm.s32 $0x3080;
	_ =	strace $0x80000047;
	[dreg:$0x8] =	wrdreg s10  }
0x8: {  	s16 =	simm.s32 $0x3880;
	s18 =	simm.s32 $0x4880;
	[dreg:$0x9] =	wrdreg s11  }
0x9: {  	s19 =	simm.s32 $0x5080;
	s20 =	simm.s32 $0x5880;
	[dreg:$0xa] =	wrdreg s12  }
0xa: {  	s21 =	simm.s32 $0x9880;
	s22 =	simm.s32 $0xA080;
	[dreg:$0xb] =	wrdreg s13  }
0xb: {  	s23 =	simm.s32 $0xA880;
	s24 =	simm.s32 $0xB080;
	[dreg:$0xc] =	wrdreg s14  }
0xc: {  	s25 =	simm.s32 $0xB880;
	s26 =	simm.s32 $0xC880;
	[dreg:$0xd] =	wrdreg s15  }
0xd: {  	s28 =	simm.s32 $0x4;
	s29 =	simm.s32 $0x5;
	[dreg:$0xe] =	wrdreg s16  }
0xe: {  	s30 =	simm.s32 $0x6;
	s2 =	ssub.s32 $0x2, s2;
	[dreg:$0xf] =	wrdreg s18  }
0xf: {  	s31 =	simm.s32 $0x7;
	s17 =	sshrl.u32 s2, $0x1;
	[dreg:$0x10] =	wrdreg s19  }
0x10: {  	s7 =	sshrl.u32 s5, $0x3;
	s5 =	sshll.u32 s5, $0x8;
	[dreg:$0x11] =	wrdreg s20  }
0x11: {  	s2 =	ssub.s32 s2, s17;
	s17 =	simm.s32 $0xC080;
	[dreg:$0x18] =	wrdreg s21  }
0x12: {  	s4 =	sadd.s32 s7, s4;
	s10 =	simm.s32 $0x7080;
	[dreg:$0x19] =	wrdreg s22  }
0x13: {  	s11 =	simm.s32 $0x7880;
	s12 =	simm.s32 $0x8880;
	[dreg:$0x1a] =	wrdreg s23  }
0x14: {  	s13 =	simm.s32 $0x9080;
	s14 =	simm.s32 $0x80;
	[dreg:$0x1b] =	wrdreg s24  }
0x15: {  	s15 =	simm.s32 $0x4080;
	s16 =	simm.s32 $0x8080;
	[dreg:$0x1c] =	wrdreg s25  }
0x16: {  	[dreg:$0x1d] =	wrdreg s26;
	s19 =	simm.s32 $0xD880;
	s20 =	simm.s32 $0xE080  }
0x17: {  	s21 =	simm.s32 $0xE880;
	s22 =	simm.s32 $0xF080;
	s23 =	simm.s32 $0xF880  }
0x18: {  	s24 =	simm.s32 $0x1;
	s25 =	simm.s32 $0x2;
	[dreg:$0x14] =	wrdreg s10  }
0x19: {  	s26 =	simm.s32 $0x3;
	s7 =	sadd.s32 $0x400, s4;
	[dreg:$0x15] =	wrdreg s11  }
0x1a: {  	s4 =	sadd.s32 s6, s5;
	s6 =	sadd.s32 $0x200, s1;
	[dreg:$0x16] =	wrdreg s12  }
0x1b: {  	s10 =	sadd.s32 $0x600, s1;
	s11 =	sadd.s32 $0x700, s1;
	[dreg:$0x17] =	wrdreg s13  }
0x1c: {  	s12 =	smax.u32 s2, $0x1;
	[dreg:$0x4] =	wrdreg s7;
	s5 =	sadd.s32 $0x800, s4  }
0x1d: {  	s13 =	simm.s32 $0x9;
	s8 =	sadd.s32 $0x1000, s4;
	[dreg:$0x5] =	wrdreg s5  }
0x1e: {  	s2 =	simm.s32 $0x8;
	s9 =	sadd.s32 $0x1800, s4;
	[dreg:$0x6] =	wrdreg s8  }
0x1f: {  	v0 =	vlaneseq.u32;
	s7 =	sadd.s32 $0x300, s1;
	[dreg:$0x7] =	wrdreg s9;
	s8 =	simm.s32 $0x6080  }
0x20: {  	v1 =	vshrl.u32 v0, $0x3;
	s5 =	sadd.s32 $0x100, s1;
	s9 =	simm.s32 $0x6880;
	[dreg:$0x12] =	wrdreg s8  }
0x21: {  	vm0 =	vmmov $0xffff;
	v0 =	vand.u32 $0x7, v0;
	v1 =	vmul.u32 $0x8, v1;
	s8 =	sadd.s32 $0x400, s1;
	[dreg:$0x13] =	wrdreg s9;
	s9 =	sadd.s32 $0x500, s1  }
.LBB2_1:
0x22: {  	s0 =	rddreg [dreg:$0x4]  }
0x23: {  	[tilespmem:s3], [sflag:$0x9] =	stream.linear.gather [hbm4b:s0+s3], $0x20, $0x38;
	[tilespmem:$0x10080] =	vst v63  }
0x24: {  	_ =	swait.ge [sflag:s13], $0x20  }
0x25: {  	[sflag:s13] =	ssyncset.done $0x0  }
0x26: {  	[sflag:s13] =	ssyncadd.s32 $0xFFFFFFE0  }
0x27: {  	v2 =	vld.msk [tilespmem:$0x0], $0xff;
	_ =	sdelay $0x4  }
0x28: {  	v3 =	vshll.u32 v2, $0x4  }
0x29: {  	v2 =	vand.u32 $0x7, v2;
	v3 =	vand.u32 $0xFFFFFF80, v3  }
0x2a: {  	v2 =	vor.u32 v2, v3  }
0x2b: {  	v2 =	vperm.xlane v2, v0;
	_ =	sdelay $0x1  }
0x2c: {  	v2 =	vadd.s32 v1, v2;
	_ =	sdelay $0x4  }
0x2d: {  	[tilespmem:s14], [sflag:$0x1] =	stream.indirect_vreg.gather [hbm4b:s1+s3], $0x80, v2, vm0, $0xb8;
	[tilespmem:$0x10080] =	vst v63  }
0x2e: {  	s0 =	rddreg [dreg:$0x8]  }
0x2f: {  	[tilespmem:s0], [sflag:$0x1] =	stream.indirect_vreg.gather [hbm4b:s5+s3], $0x80, v2, vm0, $0xb8;
	[tilespmem:$0x10080] =	vst v63  }
0x30: {  	s18 =	rddreg [dreg:$0x9]  }
0x31: {  	[tilespmem:s18], [sflag:$0x1] =	stream.indirect_vreg.gather [hbm4b:s6+s3], $0x80, v2, vm0, $0xb8;
	[tilespmem:$0x10080] =	vst v63  }
0x32: {  	s0 =	rddreg [dreg:$0xa]  }
0x33: {  	[tilespmem:s0], [sflag:$0x1] =	stream.indirect_vreg.gather [hbm4b:s7+s3], $0x80, v2, vm0, $0xb8;
	[tilespmem:$0x10080] =	vst v63  }
0x34: {  	s18 =	rddreg [dreg:$0xb]  }
0x35: {  	[tilespmem:s18], [sflag:$0x1] =	stream.indirect_vreg.gather [hbm4b:s8+s3], $0x80, v2, vm0, $0xb8;
	[tilespmem:$0x10080] =	vst v63  }
0x36: {  	s0 =	rddreg [dreg:$0xc]  }
0x37: {  	[tilespmem:s0], [sflag:$0x1] =	stream.indirect_vreg.gather [hbm4b:s9+s3], $0x80, v2, vm0, $0xb8;
	[tilespmem:$0x10080] =	vst v63  }
0x38: {  	s18 =	rddreg [dreg:$0xd]  }
0x39: {  	[tilespmem:s18], [sflag:$0x1] =	stream.indirect_vreg.gather [hbm4b:s10+s3], $0x80, v2, vm0, $0xb8;
	[tilespmem:$0x10080] =	vst v63  }
0x3a: {  	s0 =	rddreg [dreg:$0xe]  }
0x3b: {  	[tilespmem:s0], [sflag:$0x1] =	stream.indirect_vreg.gather [hbm4b:s11+s3], $0x80, v2, vm0, $0xb8;
	[tilespmem:$0x10080] =	vst v63  }
0x3c: {  	v2 =	vld.msk [tilespmem:$0x8], $0xff;
	_ =	sdelay $0x4  }
0x3d: {  	v3 =	vshll.u32 v2, $0x4  }
0x3e: {  	v2 =	vand.u32 $0x7, v2;
	v3 =	vand.u32 $0xFFFFFF80, v3  }
0x3f: {  	v2 =	vor.u32 v2, v3  }
0x40: {  	v2 =	vperm.xlane v2, v0;
	_ =	sdelay $0x1  }
0x41: {  	v2 =	vadd.s32 v1, v2;
	_ =	sdelay $0x4  }
0x42: {  	[tilespmem:s15], [sflag:$0x2] =	stream.indirect_vreg.gather [hbm4b:s1+s3], $0x80, v2, vm0, $0xb8;
	[tilespmem:$0x10080] =	vst v63  }
0x43: {  	s0 =	rddreg [dreg:$0xf]  }
0x44: {  	[tilespmem:s0], [sflag:$0x2] =	stream.indirect_vreg.gather [hbm4b:s5+s3], $0x80, v2, vm0, $0xb8;
	[tilespmem:$0x10080] =	vst v63  }
0x45: {  	s18 =	rddreg [dreg:$0x10]  }
0x46: {  	[tilespmem:s18], [sflag:$0x2] =	stream.indirect_vreg.gather [hbm4b:s6+s3], $0x80, v2, vm0, $0xb8;
	[tilespmem:$0x10080] =	vst v63  }
0x47: {  	s0 =	rddreg [dreg:$0x11]  }
0x48: {  	[tilespmem:s0], [sflag:$0x2] =	stream.indirect_vreg.gather [hbm4b:s7+s3], $0x80, v2, vm0, $0xb8;
	[tilespmem:$0x10080] =	vst v63  }
0x49: {  	s18 =	rddreg [dreg:$0x12]  }
0x4a: {  	[tilespmem:s18], [sflag:$0x2] =	stream.indirect_vreg.gather [hbm4b:s8+s3], $0x80, v2, vm0, $0xb8;
	[tilespmem:$0x10080] =	vst v63  }
0x4b: {  	s0 =	rddreg [dreg:$0x13]  }
0x4c: {  	[tilespmem:s0], [sflag:$0x2] =	stream.indirect_vreg.gather [hbm4b:s9+s3], $0x80, v2, vm0, $0xb8;
	[tilespmem:$0x10080] =	vst v63  }
0x4d: {  	s18 =	rddreg [dreg:$0x14]  }
0x4e: {  	[tilespmem:s18], [sflag:$0x2] =	stream.indirect_vreg.gather [hbm4b:s10+s3], $0x80, v2, vm0, $0xb8;
	[tilespmem:$0x10080] =	vst v63  }
0x4f: {  	s0 =	rddreg [dreg:$0x15]  }
0x50: {  	[tilespmem:s0], [sflag:$0x2] =	stream.indirect_vreg.gather [hbm4b:s11+s3], $0x80, v2, vm0, $0xb8;
	[tilespmem:$0x10080] =	vst v63  }
0x51: {  	v2 =	vld.msk [tilespmem:$0x10], $0xff;
	_ =	sdelay $0x4  }
0x52: {  	v3 =	vshll.u32 v2, $0x4  }
0x53: {  	v2 =	vand.u32 $0x7, v2;
	v3 =	vand.u32 $0xFFFFFF80, v3  }
0x54: {  	v2 =	vor.u32 v2, v3  }
0x55: {  	v2 =	vperm.xlane v2, v0;
	_ =	sdelay $0x1  }
0x56: {  	v2 =	vadd.s32 v1, v2;
	_ =	sdelay $0x4  }
0x57: {  	[tilespmem:s16], [sflag:$0x3] =	stream.indirect_vreg.gather [hbm4b:s1+s3], $0x80, v2, vm0, $0xb8;
	[tilespmem:$0x10080] =	vst v63  }
0x58: {  	s0 =	rddreg [dreg:$0x16]  }
0x59: {  	[tilespmem:s0], [sflag:$0x3] =	stream.indirect_vreg.gather [hbm4b:s5+s3], $0x80, v2, vm0, $0xb8;
	[tilespmem:$0x10080] =	vst v63  }
0x5a: {  	s18 =	rddreg [dreg:$0x17]  }
0x5b: {  	[tilespmem:s18], [sflag:$0x3] =	stream.indirect_vreg.gather [hbm4b:s6+s3], $0x80, v2, vm0, $0xb8;
	[tilespmem:$0x10080] =	vst v63  }
0x5c: {  	s0 =	rddreg [dreg:$0x18]  }
0x5d: {  	[tilespmem:s0], [sflag:$0x3] =	stream.indirect_vreg.gather [hbm4b:s7+s3], $0x80, v2, vm0, $0xb8;
	[tilespmem:$0x10080] =	vst v63  }
0x5e: {  	s18 =	rddreg [dreg:$0x19]  }
0x5f: {  	[tilespmem:s18], [sflag:$0x3] =	stream.indirect_vreg.gather [hbm4b:s8+s3], $0x80, v2, vm0, $0xb8;
	[tilespmem:$0x10080] =	vst v63  }
0x60: {  	s0 =	rddreg [dreg:$0x1a]  }
0x61: {  	[tilespmem:s0], [sflag:$0x3] =	stream.indirect_vreg.gather [hbm4b:s9+s3], $0x80, v2, vm0, $0xb8;
	[tilespmem:$0x10080] =	vst v63  }
0x62: {  	s18 =	rddreg [dreg:$0x1b]  }
0x63: {  	[tilespmem:s18], [sflag:$0x3] =	stream.indirect_vreg.gather [hbm4b:s10+s3], $0x80, v2, vm0, $0xb8;
	[tilespmem:$0x10080] =	vst v63  }
0x64: {  	s0 =	rddreg [dreg:$0x1c]  }
0x65: {  	[tilespmem:s0], [sflag:$0x3] =	stream.indirect_vreg.gather [hbm4b:s11+s3], $0x80, v2, vm0, $0xb8;
	[tilespmem:$0x10080] =	vst v63  }
0x66: {  	v2 =	vld.msk [tilespmem:$0x18], $0xff;
	_ =	sdelay $0x4  }
0x67: {  	v3 =	vshll.u32 v2, $0x4  }
0x68: {  	v2 =	vand.u32 $0x7, v2;
	v3 =	vand.u32 $0xFFFFFF80, v3  }
0x69: {  	v2 =	vor.u32 v2, v3  }
0x6a: {  	v2 =	vperm.xlane v2, v0;
	_ =	sdelay $0x1  }
0x6b: {  	v2 =	vadd.s32 v1, v2;
	_ =	sdelay $0x4  }
0x6c: {  	[tilespmem:s17], [sflag:$0x4] =	stream.indirect_vreg.gather [hbm4b:s1+s3], $0x80, v2, vm0, $0xb8;
	[tilespmem:$0x10080] =	vst v63  }
0x6d: {  	s18 =	rddreg [dreg:$0x1d]  }
0x6e: {  	[tilespmem:s18], [sflag:$0x4] =	stream.indirect_vreg.gather [hbm4b:s5+s3], $0x80, v2, vm0, $0xb8;
	[tilespmem:$0x10080] =	vst v63  }
0x6f: {  	s18 =	simm.s32 $0xD080  }
0x70: {  	[tilespmem:s18], [sflag:$0x4] =	stream.indirect_vreg.gather [hbm4b:s6+s3], $0x80, v2, vm0, $0xb8;
	[tilespmem:$0x10080] =	vst v63  }
0x71: {  	_ = 	snop  }
0x72: {  	[tilespmem:s19], [sflag:$0x4] =	stream.indirect_vreg.gather [hbm4b:s7+s3], $0x80, v2, vm0, $0xb8;
	[tilespmem:$0x10080] =	vst v63  }
0x73: {  	_ = 	snop  }
0x74: {  	[tilespmem:s20], [sflag:$0x4] =	stream.indirect_vreg.gather [hbm4b:s8+s3], $0x80, v2, vm0, $0xb8;
	[tilespmem:$0x10080] =	vst v63  }
0x75: {  	_ = 	snop  }
0x76: {  	[tilespmem:s21], [sflag:$0x4] =	stream.indirect_vreg.gather [hbm4b:s9+s3], $0x80, v2, vm0, $0xb8;
	[tilespmem:$0x10080] =	vst v63  }
0x77: {  	_ = 	snop  }
0x78: {  	[tilespmem:s22], [sflag:$0x4] =	stream.indirect_vreg.gather [hbm4b:s10+s3], $0x80, v2, vm0, $0xb8;
	[tilespmem:$0x10080] =	vst v63  }
0x79: {  	_ = 	snop  }
0x7a: {  	[tilespmem:s23], [sflag:$0x4] =	stream.indirect_vreg.gather [hbm4b:s11+s3], $0x80, v2, vm0, $0xb8;
	[tilespmem:$0x10080] =	vst v63  }
0x7b: {  	_ =	swait.ge [sflag:s24], $0x4000  }
0x7c: {  	[sflag:s24] =	ssyncset.done $0x0  }
0x7d: {  	[sflag:s24] =	ssyncadd.s32 $0xFFFFC000  }
0x7e: {  	[hbm4b:s4+s3] =	stream.linear.scatter [tilespmem:s14], [sflag:$0x5], $0x4000, $0x38;
	[tilespmem:$0x10080] =	vst v63  }
0x7f: {  	_ =	swait.ge [sflag:s25], $0x4000  }
0x80: {  	[sflag:s25] =	ssyncset.done $0x0  }
0x81: {  	s18 =	rddreg [dreg:$0x5];
	[sflag:s25] =	ssyncadd.s32 $0xFFFFC000  }
0x82: {  	[hbm4b:s18+s3] =	stream.linear.scatter [tilespmem:s15], [sflag:$0x6], $0x4000, $0x38;
	[tilespmem:$0x10080] =	vst v63  }
0x83: {  	_ =	swait.ge [sflag:s26], $0x4000  }
0x84: {  	[sflag:s26] =	ssyncset.done $0x0  }
0x85: {  	s18 =	rddreg [dreg:$0x6];
	[sflag:s26] =	ssyncadd.s32 $0xFFFFC000  }
0x86: {  	[hbm4b:s18+s3] =	stream.linear.scatter [tilespmem:s16], [sflag:$0x7], $0x4000, $0x38;
	[tilespmem:$0x10080] =	vst v63  }
0x87: {  	_ =	swait.ge [sflag:s28], $0x4000  }
0x88: {  	[sflag:s28] =	ssyncset.done $0x0  }
0x89: {  	s18 =	rddreg [dreg:$0x7];
	[sflag:s28] =	ssyncadd.s32 $0xFFFFC000  }
0x8a: {  	[hbm4b:s18+s3] =	stream.linear.scatter [tilespmem:s17], [sflag:$0x8], $0x4000, $0x38;
	[tilespmem:$0x10080] =	vst v63  }
0x8b: {  	_ =	swait.ge [sflag:s29], $0x4000  }
0x8c: {  	[sflag:s29] =	ssyncset.done $0x0  }
0x8d: {  	[sflag:s29] =	ssyncadd.s32 $0xFFFFC000  }
0x8e: {  	_ =	swait.ge [sflag:s30], $0x4000  }
0x8f: {  	[sflag:s30] =	ssyncset.done $0x0  }
0x90: {  	[sflag:s30] =	ssyncadd.s32 $0xFFFFC000  }
0x91: {  	p0 =	sne.s32 s12, $0x1;
	_ =	swait.ge [sflag:s31], $0x4000  }
.Ltmp0:
0x92: {  	[sflag:s31] =	ssyncset.done $0x0;
	(pc) =	sbr.rel @p0 .LBB2_1-.Ltmp0, $4  }
0x93: {  	[sflag:s31] =	ssyncadd.s32 $0xFFFFC000  }
0x94: {  	_ =	swait.ge [sflag:s2], $0x4000  }
0x95: {  	[sflag:s2] =	ssyncset.done $0x0  }
0x96: {  	s12 =	sadd.s32 $0xFFFFFFFF, s12;
	[sflag:s2] =	ssyncadd.s32 $0xFFFFC000  }
0x97: {  	_ =	sfence.sel $0x180000  }
0x98: {  	[bflag:$0x0] =	sbarrier.arrive $0xFFFF  }
0x99: {  	_ =	strace $0x90000047  }
0x9a: {  	s0 =	stileid.u32;
	[bflag:$0x2] =	sbarrier.arrive $0xFFFF  }
0x9b: {  	p0 =	sne.s32 s0, $0x0;
	s0 =	rddreg [dreg:$0x3]  }
0x9c: {  	s0 =	sadd.s32 @!p0 $0x100000, s0  }
0x9d: {  	[sflag:s0] =	ssyncadd.tile.s32 @!p0 $0x1;
	_ =	shalt  }
.Lfunc_end2:
_tile_overlayer_lowered:
.L_overlay_start_2:
0x9e: {  	(tag) =	ssettag $0x2  }
0x9f: {  	s0 =	rddreg [dreg:$0x0];
	s2 =	stileid.u32  }
0xa0: {  	s1 =	rddreg [dreg:$0x1];
	p0 =	sne.s32 s2, $0x0  }
0xa1: {  	s3 =	rddreg [dreg:$0x2];
	[bflag:$0x3] =	sbarrier.arrive $0xFFFF;
	s2 =	simm.s32 @!p0 $0x1C09  }
0xa2: {  	[timem:s3], [sflag:s2] =	dma.local @!p0 [hbm:s0], s1  }
0xa3: {  	s0 =	simm.s32 @!p0 $0x9  }
0xa4: {  	_ =	swait.ge @!p0 [sflag:s0], s1  }
0xa5: {  	s1 =	ssub.s32 @!p0 $0x0, s1;
	[sflag:s0] =	ssyncset.done @!p0 $0x0  }
0xa6: {  	[sflag:s0] =	ssyncadd.s32 @!p0 s1  }
0xa7: {  	[bflag:$0x3] =	sbarrier.arrive $0xFFFF  }
0xa8: {  	_ =	shalt  }

</sc_bundles>
